<compile_context>
chip_gen: v7x
topology: tpu7x:2x2x1
jax: 0.10.2.dev20260603
libtpu: 0.0.44.dev20260713+nightly
codegen_flags: <defaults>
</compile_context>

<pallas_src>
import functools

import jax
import jax.numpy as jnp
from jax import lax
from jax.experimental import pallas as pl
from jax.experimental.pallas import tpu as pltpu
from jax.experimental.pallas import tpu_sc as plsc

B, F, V, D = 4096, 26, 100000, 32
INPUT_DIM = F * D
H1 = 128

_SC_INFO = plsc.get_sparse_core_info()
_NC = _SC_INFO.num_cores
_NS = _SC_INFO.num_subcores
_NW = _NC * _NS
_N_PER_W = (B * F) // _NW
_LANES = 16


def _gather_body(idx_hbm, table_hbm, out_hbm, idx_v, rows_v, sem):
    wid = lax.axis_index("s") * _NC + lax.axis_index("c")
    base = wid * _N_PER_W
    pltpu.sync_copy(idx_hbm.at[pl.ds(base, _N_PER_W)], idx_v)

    offs0 = (lax.broadcasted_iota(jnp.int32, (_LANES,), 0) % F) * V
    step = jnp.int32(_LANES % F) * V
    limit = jnp.int32(F) * V

    def body(i, offs):
        sl = pl.ds(i * _LANES, _LANES)
        idx_v[sl] = idx_v[sl] + offs
        nxt = offs + step
        return jnp.where(nxt >= limit, nxt - limit, nxt)

    lax.fori_loop(0, _N_PER_W // _LANES, body, offs0, unroll=4)

    pltpu.async_copy(table_hbm.at[idx_v], rows_v, sem).wait()
    pltpu.sync_copy(rows_v, out_hbm.at[pl.ds(base, _N_PER_W)])


@functools.partial(
    pl.kernel,
    mesh=plsc.VectorSubcoreMesh(core_axis_name="c", subcore_axis_name="s"),
    out_type=jax.ShapeDtypeStruct((B * F, D), jnp.float32),
    scratch_types=[
        pltpu.VMEM((_N_PER_W,), jnp.int32),
        pltpu.VMEM((_N_PER_W, D), jnp.float32),
        pltpu.SemaphoreType.DMA,
    ],
    compiler_params=pltpu.CompilerParams(use_tc_tiling_on_sc=False),
)
def _sc_gather(idx_hbm, table_hbm, out_hbm, idx_v, rows_v, sem):
    _gather_body(idx_hbm, table_hbm, out_hbm, idx_v, rows_v, sem)


def _mlp_body(h_ref, w1_ref, b1_ref, w2_ref, b2_ref, o_ref):
    z = jnp.dot(h_ref[...], w1_ref[...], preferred_element_type=jnp.float32)
    z = jnp.maximum(z + b1_ref[...], 0.0)
    p = jnp.dot(z, w2_ref[...], preferred_element_type=jnp.float32) + b2_ref[...]
    ps = jax.nn.sigmoid(p)
    pctr = ps[:, 0:1]
    o_ref[...] = jnp.concatenate([pctr, pctr * ps[:, 1:2]], axis=1)


def _mlp(h, w1cat, b1cat, w2cat, b2cat, bs=512):
    return pl.pallas_call(
        _mlp_body,
        grid=(B // bs,),
        in_specs=[
            pl.BlockSpec((bs, INPUT_DIM), lambda i: (i, 0)),
            pl.BlockSpec((INPUT_DIM, 2 * H1), lambda i: (0, 0)),
            pl.BlockSpec((1, 2 * H1), lambda i: (0, 0)),
            pl.BlockSpec((2 * H1, 2), lambda i: (0, 0)),
            pl.BlockSpec((1, 2), lambda i: (0, 0)),
        ],
        out_specs=pl.BlockSpec((bs, 2), lambda i: (i, 0)),
        out_shape=jax.ShapeDtypeStruct((B, 2), jnp.float32),
    )(h, w1cat, b1cat, w2cat, b2cat)


def kernel(inputs, tables, ctr_W1, ctr_b1, ctr_W2, ctr_b2,
           cvr_W1, cvr_b1, cvr_W2, cvr_b2):
    idx_flat = inputs.astype(jnp.int32).reshape(-1)
    table_1d = lax.optimization_barrier(tables.reshape(-1))
    table_flat = table_1d.reshape(F * V, D)
    rows = _sc_gather(idx_flat, table_flat)
    h = rows.reshape(B, F * D)

    w1cat = jnp.concatenate([ctr_W1, cvr_W1], axis=1)
    b1cat = jnp.concatenate([ctr_b1, cvr_b1]).reshape(1, -1)
    zeros = jnp.zeros((H1, 1), jnp.float32)
    w2cat = jnp.concatenate(
        [jnp.concatenate([ctr_W2, zeros], axis=0),
         jnp.concatenate([zeros, cvr_W2], axis=0)], axis=1)
    b2cat = jnp.concatenate([ctr_b2, cvr_b2]).reshape(1, 2)

    out2 = _mlp(h, w1cat, b1cat, w2cat, b2cat)
    return out2[:, 0:1], out2[:, 1:2]

# --- scband reference (transcript-rebuilt; emitter-appended) ---
"""Pipeline reference for scband-esmm-89945205113458 (READ-ONLY COPY).

The authoritative reference and input builder live on the scoring server;
editing this copy changes nothing except your own understanding.
"""

import jax, jax.numpy as jnp
import numpy as np

B, F, V, D = 4096, 26, 100000, 32
INPUT_DIM = F * D


def setup_inputs(seed: int = 0) -> dict:
    key = jax.random.key(seed)
    ks = jax.random.split(key, 8)
    inputs = jax.random.randint(ks[0], (B, F), 0, V, dtype=jnp.int64) if jax.config.jax_enable_x64 else jax.random.randint(ks[0], (B, F), 0, V, dtype=jnp.int32)
    tables = jax.random.normal(ks[1], (F, V, D), dtype=jnp.float32) * 0.01
    ctr_W1 = jax.random.normal(ks[2], (INPUT_DIM, 128), dtype=jnp.float32) * 0.02
    ctr_b1 = jnp.zeros((128,), dtype=jnp.float32)
    ctr_W2 = jax.random.normal(ks[3], (128, 1), dtype=jnp.float32) * 0.02
    ctr_b2 = jnp.zeros((1,), dtype=jnp.float32)
    cvr_W1 = jax.random.normal(ks[4], (INPUT_DIM, 128), dtype=jnp.float32) * 0.02
    cvr_b1 = jnp.zeros((128,), dtype=jnp.float32)
    cvr_W2 = jax.random.normal(ks[5], (128, 1), dtype=jnp.float32) * 0.02
    cvr_b2 = jnp.zeros((1,), dtype=jnp.float32)
    return {
        "inputs": inputs,
        "tables": tables,
        "ctr_W1": ctr_W1, "ctr_b1": ctr_b1, "ctr_W2": ctr_W2, "ctr_b2": ctr_b2,
        "cvr_W1": cvr_W1, "cvr_b1": cvr_b1, "cvr_W2": cvr_W2, "cvr_b2": cvr_b2,
    }


def _mlp_sigmoid(h, W1, b1, W2, b2):
    z = jnp.maximum(h @ W1 + b1, 0.0)
    p = z @ W2 + b2
    return jax.nn.sigmoid(p)


def reference(inputs, tables, ctr_W1, ctr_b1, ctr_W2, ctr_b2, cvr_W1, cvr_b1, cvr_W2, cvr_b2):
    # FeatureExtractor: per-field embedding gather then concat along feature dim
    field_ids = jnp.arange(F)
    emb = tables[field_ids, inputs]          # [B, F, D] gather from [F, V, D]
    h = emb.reshape(inputs.shape[0], F * D)  # equivalent to torch.cat of per-field embeddings
    p_ctr = _mlp_sigmoid(h, ctr_W1, ctr_b1, ctr_W2, ctr_b2)
    p_cvr = _mlp_sigmoid(h, cvr_W1, cvr_b1, cvr_W2, cvr_b2)
    p_ctcvr = p_ctr * p_cvr
    return (p_ctr, p_ctcvr)

if __name__ == "__main__":
    import jax
    _d = setup_inputs()
    print(jax.jit(kernel)(*tuple(_d.values())))

</pallas_src>

<mosaic_0001>
#map = affine_map<(d0, d1) -> (0)>
#map1 = affine_map<(d0, d1) -> (0, 0)>
module attributes {stable_mosaic.version = 14 : i64} {
  func.func @_sc_gather(%arg0: i32, %arg1: i32, %arg2: memref<106496xi32, #tpu.memory_space<hbm>>, %arg3: memref<2600000x32xf32, #tpu.memory_space<hbm>>, %arg4: memref<106496x32xf32, #tpu.memory_space<hbm>>, %arg5: memref<3328xi32, #tpu.memory_space<vmem>>, %arg6: memref<3328x32xf32, #tpu.memory_space<vmem>>, %arg7: memref<!tpu.dma_semaphore, #tpu.memory_space<semaphore_mem>>) attributes {dimension_semantics = [#tpu.dimension_semantics<core_parallel>, #tpu.dimension_semantics<subcore_parallel>], iteration_bounds = array<i64: 2, 16>, scalar_prefetch = 0 : i64, scratch_operands = 3 : i64, tpu.core_type = #tpu.core_type<sc_vector_subcore>, window_params = [{transform_indices = #map}, {transform_indices = #map1}, {transform_indices = #map1}]} {
    %mul3A = arith.constant 2 : i32
    %mul3A_0 = arith.muli %arg1, %mul3A : i32
    %add3A = arith.addi %mul3A_0, %arg0 : i32
    %mul3A_1 = arith.constant 3328 : i32
    %mul3A_2 = arith.muli %add3A, %mul3A_1 : i32
    "tpu.region"() ({
      %run_scoped3A = tpu.sem_alloc : memref<!tpu.dma_semaphore, #tpu.memory_space<semaphore_mem>>
      %dma_start3A_36 = tpu.memref_slice %arg2[%mul3A_2] : memref<106496xi32, #tpu.memory_space<hbm>> -> memref<3328xi32, #tpu.memory_space<hbm>>
      %dma_start3A_37 = tpu.memref_slice %arg2[%mul3A_2] : memref<106496xi32, #tpu.memory_space<hbm>> -> memref<3328xi32, #tpu.memory_space<hbm>>
      tpu.enqueue_dma source(%dma_start3A_37 : memref<3328xi32, #tpu.memory_space<hbm>>) target(%arg5 : memref<3328xi32, #tpu.memory_space<vmem>>) target_semaphore(%run_scoped3A : memref<!tpu.dma_semaphore, #tpu.memory_space<semaphore_mem>>)
      %dma_wait3A_38 = tpu.memref_slice %arg2[%mul3A_2] : memref<106496xi32, #tpu.memory_space<hbm>> -> memref<3328xi32, #tpu.memory_space<hbm>>
      %dma_wait3A_39 = tpu.memref_slice %arg2[%mul3A_2] : memref<106496xi32, #tpu.memory_space<hbm>> -> memref<3328xi32, #tpu.memory_space<hbm>>
      tpu.wait_dma2 semaphore(%run_scoped3A : memref<!tpu.dma_semaphore, #tpu.memory_space<semaphore_mem>>) src(%dma_wait3A_39 : memref<3328xi32, #tpu.memory_space<hbm>>) dst(%arg5 : memref<3328xi32, #tpu.memory_space<vmem>>)
      tpu.yield
    }) : () -> ()
    %iota3A = tpu.iota {dimensions = array<i32: 0>} : vector<16xi32>
    %jit3A = arith.constant 26 : i32
    %eq3A = arith.constant 0 : i32
    %eq3A_3 = arith.cmpi eq, %jit3A, %eq3A : i32
    %jit3A_4 = arith.constant 1 : i32
    %select_n3A = arith.select %eq3A_3, %jit3A_4, %jit3A : i32
    %rem3A = vector.broadcast %select_n3A : i32 to vector<16xi32>
    %rem3A_5 = arith.remsi %iota3A, %rem3A : vector<16xi32>
    %ne3A = arith.constant 0 : i32
    %ne3A_6 = vector.broadcast %ne3A : i32 to vector<16xi32>
    %ne3A_7 = arith.cmpi ne, %rem3A_5, %ne3A_6 : vector<16xi32>
    %lt3A = arith.constant 0 : i32
    %lt3A_8 = vector.broadcast %lt3A : i32 to vector<16xi32>
    %lt3A_9 = arith.cmpi slt, %rem3A_5, %lt3A_8 : vector<16xi32>
    %lt3A_10 = arith.constant 0 : i32
    %lt3A_11 = arith.cmpi slt, %select_n3A, %lt3A_10 : i32
    %ne3A_12 = vector.broadcast %lt3A_11 : i1 to vector<16xi1>
    %ne3A_13 = vector.broadcast %ne3A_12 : vector<16xi1> to vector<16xi1>
    %ne3A_14 = arith.xori %lt3A_9, %ne3A_13 : vector<16xi1>
    %and3A = arith.andi %ne3A_14, %ne3A_7 : vector<16xi1>
    %add3A_15 = vector.broadcast %select_n3A : i32 to vector<16xi32>
    %add3A_16 = arith.addi %rem3A_5, %add3A_15 : vector<16xi32>
    %select_n3A_17 = arith.select %and3A, %add3A_16, %rem3A_5 : vector<16xi1>, vector<16xi32>
    %mul3A_18 = arith.constant 100000 : i32
    %mul3A_19 = vector.broadcast %mul3A_18 : i32 to vector<16xi32>
    %mul3A_20 = arith.muli %select_n3A_17, %mul3A_19 : vector<16xi32>
    %mul3A_21 = arith.constant 16 : i32
    %mul3A_22 = arith.constant 100000 : i32
    %mul3A_23 = arith.muli %mul3A_21, %mul3A_22 : i32
    %mul3A_24 = arith.constant 26 : i32
    %mul3A_25 = arith.constant 100000 : i32
    %mul3A_26 = arith.muli %mul3A_24, %mul3A_25 : i32
    %scan3A = arith.constant 0 : i32
    %scan3A_27 = arith.constant 208 : i32
    %scan3A_28 = arith.addi %scan3A, %scan3A_27 : i32
    %scan3A_29 = arith.constant 4 : i32
    %scan3A_30 = scf.for %scan3A_36 = %scan3A to %scan3A_28 step %scan3A_29 iter_args(%scan3A_37 = %mul3A_20) -> (vector<16xi32>)  : i32 {
      %mul3A_38 = arith.constant 16 : i32
      %mul3A_39 = arith.muli %scan3A_36, %mul3A_38 : i32
      %get3A = arith.index_cast %mul3A_39 : i32 to index
      %get3A_40 = tpu.vector_load %arg5[%get3A] {strides = array<i32>} : memref<3328xi32, #tpu.memory_space<vmem>>, vector<16xi32>,
      %get3A_41 = vector.shape_cast %get3A_40 : vector<16xi32> to vector<16xi32>
      %add3A_42 = arith.addi %get3A_41, %scan3A_37 : vector<16xi32>
      %swap3A = arith.index_cast %mul3A_39 : i32 to index
      %swap3A_43 = tpu.vector_load %arg5[%swap3A] {strides = array<i32>} : memref<3328xi32, #tpu.memory_space<vmem>>, vector<16xi32>,
      %swap3A_44 = vector.shape_cast %swap3A_43 : vector<16xi32> to vector<16xi32>
      %swap3A_45 = vector.shape_cast %add3A_42 : vector<16xi32> to vector<16xi32>
      tpu.vector_store %arg5[%swap3A], %swap3A_45 {strides = array<i32>} : memref<3328xi32, #tpu.memory_space<vmem>>, vector<16xi32>,
      %add3A_46 = vector.broadcast %mul3A_23 : i32 to vector<16xi32>
      %add3A_47 = arith.addi %scan3A_37, %add3A_46 : vector<16xi32>
      %ge3A = vector.broadcast %mul3A_26 : i32 to vector<16xi32>
      %ge3A_48 = arith.cmpi sge, %add3A_47, %ge3A : vector<16xi32>
      %sub3A = vector.broadcast %mul3A_26 : i32 to vector<16xi32>
      %sub3A_49 = arith.subi %add3A_47, %sub3A : vector<16xi32>
      %select_n3A_50 = arith.select %ge3A_48, %sub3A_49, %add3A_47 : vector<16xi1>, vector<16xi32>
      %scan3A_51 = arith.constant 1 : i32
      %scan3A_52 = arith.addi %scan3A_36, %scan3A_51 : i32
      %mul3A_53 = arith.constant 16 : i32
      %mul3A_54 = arith.muli %scan3A_52, %mul3A_53 : i32
      %get3A_55 = arith.index_cast %mul3A_54 : i32 to index
      %get3A_56 = tpu.vector_load %arg5[%get3A_55] {strides = array<i32>} : memref<3328xi32, #tpu.memory_space<vmem>>, vector<16xi32>,
      %get3A_57 = vector.shape_cast %get3A_56 : vector<16xi32> to vector<16xi32>
      %add3A_58 = arith.addi %get3A_57, %select_n3A_50 : vector<16xi32>
      %swap3A_59 = arith.index_cast %mul3A_54 : i32 to index
      %swap3A_60 = tpu.vector_load %arg5[%swap3A_59] {strides = array<i32>} : memref<3328xi32, #tpu.memory_space<vmem>>, vector<16xi32>,
      %swap3A_61 = vector.shape_cast %swap3A_60 : vector<16xi32> to vector<16xi32>
      %swap3A_62 = vector.shape_cast %add3A_58 : vector<16xi32> to vector<16xi32>
      tpu.vector_store %arg5[%swap3A_59], %swap3A_62 {strides = array<i32>} : memref<3328xi32, #tpu.memory_space<vmem>>, vector<16xi32>,
      %add3A_63 = vector.broadcast %mul3A_23 : i32 to vector<16xi32>
      %add3A_64 = arith.addi %select_n3A_50, %add3A_63 : vector<16xi32>
      %ge3A_65 = vector.broadcast %mul3A_26 : i32 to vector<16xi32>
      %ge3A_66 = arith.cmpi sge, %add3A_64, %ge3A_65 : vector<16xi32>
      %sub3A_67 = vector.broadcast %mul3A_26 : i32 to vector<16xi32>
      %sub3A_68 = arith.subi %add3A_64, %sub3A_67 : vector<16xi32>
      %select_n3A_69 = arith.select %ge3A_66, %sub3A_68, %add3A_64 : vector<16xi1>, vector<16xi32>
      %scan3A_70 = arith.constant 2 : i32
      %scan3A_71 = arith.addi %scan3A_36, %scan3A_70 : i32
      %mul3A_72 = arith.constant 16 : i32
      %mul3A_73 = arith.muli %scan3A_71, %mul3A_72 : i32
      %get3A_74 = arith.index_cast %mul3A_73 : i32 to index
      %get3A_75 = tpu.vector_load %arg5[%get3A_74] {strides = array<i32>} : memref<3328xi32, #tpu.memory_space<vmem>>, vector<16xi32>,
      %get3A_76 = vector.shape_cast %get3A_75 : vector<16xi32> to vector<16xi32>
      %add3A_77 = arith.addi %get3A_76, %select_n3A_69 : vector<16xi32>
      %swap3A_78 = arith.index_cast %mul3A_73 : i32 to index
      %swap3A_79 = tpu.vector_load %arg5[%swap3A_78] {strides = array<i32>} : memref<3328xi32, #tpu.memory_space<vmem>>, vector<16xi32>,
      %swap3A_80 = vector.shape_cast %swap3A_79 : vector<16xi32> to vector<16xi32>
      %swap3A_81 = vector.shape_cast %add3A_77 : vector<16xi32> to vector<16xi32>
      tpu.vector_store %arg5[%swap3A_78], %swap3A_81 {strides = array<i32>} : memref<3328xi32, #tpu.memory_space<vmem>>, vector<16xi32>,
      %add3A_82 = vector.broadcast %mul3A_23 : i32 to vector<16xi32>
      %add3A_83 = arith.addi %select_n3A_69, %add3A_82 : vector<16xi32>
      %ge3A_84 = vector.broadcast %mul3A_26 : i32 to vector<16xi32>
      %ge3A_85 = arith.cmpi sge, %add3A_83, %ge3A_84 : vector<16xi32>
      %sub3A_86 = vector.broadcast %mul3A_26 : i32 to vector<16xi32>
      %sub3A_87 = arith.subi %add3A_83, %sub3A_86 : vector<16xi32>
      %select_n3A_88 = arith.select %ge3A_85, %sub3A_87, %add3A_83 : vector<16xi1>, vector<16xi32>
      %scan3A_89 = arith.constant 3 : i32
      %scan3A_90 = arith.addi %scan3A_36, %scan3A_89 : i32
      %mul3A_91 = arith.constant 16 : i32
      %mul3A_92 = arith.muli %scan3A_90, %mul3A_91 : i32
      %get3A_93 = arith.index_cast %mul3A_92 : i32 to index
      %get3A_94 = tpu.vector_load %arg5[%get3A_93] {strides = array<i32>} : memref<3328xi32, #tpu.memory_space<vmem>>, vector<16xi32>,
      %get3A_95 = vector.shape_cast %get3A_94 : vector<16xi32> to vector<16xi32>
      %add3A_96 = arith.addi %get3A_95, %select_n3A_88 : vector<16xi32>
      %swap3A_97 = arith.index_cast %mul3A_92 : i32 to index
      %swap3A_98 = tpu.vector_load %arg5[%swap3A_97] {strides = array<i32>} : memref<3328xi32, #tpu.memory_space<vmem>>, vector<16xi32>,
      %swap3A_99 = vector.shape_cast %swap3A_98 : vector<16xi32> to vector<16xi32>
      %swap3A_100 = vector.shape_cast %add3A_96 : vector<16xi32> to vector<16xi32>
      tpu.vector_store %arg5[%swap3A_97], %swap3A_100 {strides = array<i32>} : memref<3328xi32, #tpu.memory_space<vmem>>, vector<16xi32>,
      %add3A_101 = vector.broadcast %mul3A_23 : i32 to vector<16xi32>
      %add3A_102 = arith.addi %select_n3A_88, %add3A_101 : vector<16xi32>
      %ge3A_103 = vector.broadcast %mul3A_26 : i32 to vector<16xi32>
      %ge3A_104 = arith.cmpi sge, %add3A_102, %ge3A_103 : vector<16xi32>
      %sub3A_105 = vector.broadcast %mul3A_26 : i32 to vector<16xi32>
      %sub3A_106 = arith.subi %add3A_102, %sub3A_105 : vector<16xi32>
      %select_n3A_107 = arith.select %ge3A_104, %sub3A_106, %add3A_102 : vector<16xi1>, vector<16xi32>
      scf.yield %select_n3A_107 : vector<16xi32>
    }
    %scan3A_31 = arith.constant 208 : i32
    %dma_start3A = arith.constant 0 : i32
    %dma_start3A_32 = arith.constant 0 : i32
    %dma_start3A_33 = tpu.memref_slice %arg3[%dma_start3A, %dma_start3A_32] : memref<2600000x32xf32, #tpu.memory_space<hbm>> -> memref<2600000x32xf32, #tpu.memory_space<hbm>>
    tpu.enqueue_indirect_dma source(%dma_start3A_33 : memref<2600000x32xf32, #tpu.memory_space<hbm>>) target(%arg6 : memref<3328x32xf32, #tpu.memory_space<vmem>>) offsets(%arg5 : memref<3328xi32, #tpu.memory_space<vmem>>) semaphore(%arg7 : memref<!tpu.dma_semaphore, #tpu.memory_space<semaphore_mem>>)
    %dma_wait3A = arith.constant 0 : i32
    %dma_wait3A_34 = arith.constant 0 : i32
    %dma_wait3A_35 = tpu.memref_slice %arg3[%dma_wait3A, %dma_wait3A_34] : memref<2600000x32xf32, #tpu.memory_space<hbm>> -> memref<2600000x32xf32, #tpu.memory_space<hbm>>
    tpu.wait_indirect_dma semaphore(%arg7 : memref<!tpu.dma_semaphore, #tpu.memory_space<semaphore_mem>>) src(%dma_wait3A_35 : memref<2600000x32xf32, #tpu.memory_space<hbm>>) dst(%arg6 : memref<3328x32xf32, #tpu.memory_space<vmem>>)
    "tpu.region"() ({
      %run_scoped3A = tpu.sem_alloc : memref<!tpu.dma_semaphore, #tpu.memory_space<semaphore_mem>>
      %dma_start3A_36 = arith.constant 0 : i32
      %dma_start3A_37 = tpu.memref_slice %arg4[%mul3A_2, %dma_start3A_36] : memref<106496x32xf32, #tpu.memory_space<hbm>> -> memref<3328x32xf32, #tpu.memory_space<hbm>>
      %dma_start3A_38 = arith.constant 0 : i32
      %dma_start3A_39 = tpu.memref_slice %arg4[%mul3A_2, %dma_start3A_38] : memref<106496x32xf32, #tpu.memory_space<hbm>> -> memref<3328x32xf32, #tpu.memory_space<hbm>>
      tpu.enqueue_dma source(%arg6 : memref<3328x32xf32, #tpu.memory_space<vmem>>) target(%dma_start3A_39 : memref<3328x32xf32, #tpu.memory_space<hbm>>) target_semaphore(%run_scoped3A : memref<!tpu.dma_semaphore, #tpu.memory_space<semaphore_mem>>)
      %dma_wait3A_40 = arith.constant 0 : i32
      %dma_wait3A_41 = tpu.memref_slice %arg4[%mul3A_2, %dma_wait3A_40] : memref<106496x32xf32, #tpu.memory_space<hbm>> -> memref<3328x32xf32, #tpu.memory_space<hbm>>
      %dma_wait3A_42 = arith.constant 0 : i32
      %dma_wait3A_43 = tpu.memref_slice %arg4[%mul3A_2, %dma_wait3A_42] : memref<106496x32xf32, #tpu.memory_space<hbm>> -> memref<3328x32xf32, #tpu.memory_space<hbm>>
      tpu.wait_dma2 semaphore(%run_scoped3A : memref<!tpu.dma_semaphore, #tpu.memory_space<semaphore_mem>>) src(%arg6 : memref<3328x32xf32, #tpu.memory_space<vmem>>) dst(%dma_wait3A_43 : memref<3328x32xf32, #tpu.memory_space<hbm>>)
      tpu.yield
    }) : () -> ()
    return
  }
}

module attributes {stable_mosaic.version = 14 : i64} {
  func.func @_mlp_body(%arg0: i32, %arg1: memref<512x832xf32, #tpu.memory_space<vmem>>, %arg2: memref<832x256xf32, #tpu.memory_space<vmem>>, %arg3: memref<1x256xf32, #tpu.memory_space<vmem>>, %arg4: memref<256x2xf32, #tpu.memory_space<vmem>>, %arg5: memref<1x2xf32, #tpu.memory_space<vmem>>, %arg6: memref<512x2xf32, #tpu.memory_space<vmem>>) attributes {dimension_semantics = [#tpu.dimension_semantics<arbitrary>], iteration_bounds = array<i64: 8>, scalar_prefetch = 0 : i64, scratch_operands = 0 : i64, tpu.core_type = #tpu.core_type<tc>, window_params = [{transform_indices = @transform_0, window_bounds = array<i64: 512, 832>}, {pipeline_mode = #tpu.pipeline_mode<synchronous>, transform_indices = @transform_1, window_bounds = array<i64: 832, 256>}, {pipeline_mode = #tpu.pipeline_mode<synchronous>, transform_indices = @transform_2, window_bounds = array<i64: 1, 256>}, {pipeline_mode = #tpu.pipeline_mode<synchronous>, transform_indices = @transform_3, window_bounds = array<i64: 256, 2>}, {pipeline_mode = #tpu.pipeline_mode<synchronous>, transform_indices = @transform_4, window_bounds = array<i64: 1, 2>}, {transform_indices = @transform_5, window_bounds = array<i64: 512, 2>}]} {
    %get3A = arith.constant 0 : index
    %get3A_0 = arith.constant 0 : index
    %get3A_1 = vector.load %arg1[%get3A, %get3A_0] : memref<512x832xf32, #tpu.memory_space<vmem>>, vector<512x832xf32>
    %get3A_2 = arith.constant 0 : index
    %get3A_3 = arith.constant 0 : index
    %get3A_4 = vector.load %arg2[%get3A_2, %get3A_3] : memref<832x256xf32, #tpu.memory_space<vmem>>, vector<832x256xf32>
    %dot_general3A = arith.constant dense<0.000000e+00> : vector<512x256xf32>
    %dot_general3A_5 = tpu.matmul %get3A_1, %get3A_4, %dot_general3A {dimension_numbers = #tpu.dot_dimension_numbers<[1], [0], [0], [1], [0, 0, 1, 1], [], []>, transpose_lhs_hint = false} : vector<512x832xf32>, vector<832x256xf32>, vector<512x256xf32> -> vector<512x256xf32>
    %get3A_6 = arith.constant 0 : index
    %get3A_7 = arith.constant 0 : index
    %get3A_8 = vector.load %arg3[%get3A_6, %get3A_7] : memref<1x256xf32, #tpu.memory_space<vmem>>, vector<1x256xf32>
    %add3A = vector.broadcast %get3A_8 : vector<1x256xf32> to vector<512x256xf32>
    %add3A_9 = arith.addf %dot_general3A_5, %add3A : vector<512x256xf32>
    %max3A = arith.constant 0.000000e+00 : f32
    %max3A_10 = vector.broadcast %max3A : f32 to vector<512x256xf32>
    %max3A_11 = arith.maximumf %add3A_9, %max3A_10 : vector<512x256xf32>
    %get3A_12 = arith.constant 0 : index
    %get3A_13 = arith.constant 0 : index
    %get3A_14 = vector.load %arg4[%get3A_12, %get3A_13] : memref<256x2xf32, #tpu.memory_space<vmem>>, vector<256x2xf32>
    %dot_general3A_15 = arith.constant dense<0.000000e+00> : vector<512x2xf32>
    %dot_general3A_16 = tpu.matmul %max3A_11, %get3A_14, %dot_general3A_15 {dimension_numbers = #tpu.dot_dimension_numbers<[1], [0], [0], [1], [0, 0, 1, 1], [], []>, transpose_lhs_hint = false} : vector<512x256xf32>, vector<256x2xf32>, vector<512x2xf32> -> vector<512x2xf32>
    %get3A_17 = arith.constant 0 : index
    %get3A_18 = arith.constant 0 : index
    %get3A_19 = vector.load %arg5[%get3A_17, %get3A_18] : memref<1x2xf32, #tpu.memory_space<vmem>>, vector<1x2xf32>
    %add3A_20 = vector.broadcast %get3A_19 : vector<1x2xf32> to vector<512x2xf32>
    %add3A_21 = arith.addf %dot_general3A_16, %add3A_20 : vector<512x2xf32>
    %logistic3A = arith.negf %add3A_21 : vector<512x2xf32>
    %logistic3A_22 = math.exp %logistic3A : vector<512x2xf32>
    %logistic3A_23 = arith.constant 1.000000e+00 : f32
    %logistic3A_24 = vector.broadcast %logistic3A_23 : f32 to vector<512x2xf32>
    %logistic3A_25 = arith.addf %logistic3A_24, %logistic3A_22 : vector<512x2xf32>
    %logistic3A_26 = arith.divf %logistic3A_24, %logistic3A_25 : vector<512x2xf32>
    %slice3A = vector.extract_strided_slice %logistic3A_26 {offsets = [0, 0], sizes = [512, 1], strides = [1, 1]} : vector<512x2xf32> to vector<512x1xf32>
    %slice3A_27 = vector.extract_strided_slice %logistic3A_26 {offsets = [0, 1], sizes = [512, 1], strides = [1, 1]} : vector<512x2xf32> to vector<512x1xf32>
    %mul3A = arith.mulf %slice3A, %slice3A_27 : vector<512x1xf32>
    %concatenate3A = tpu.concatenate %slice3A, %mul3A in 1 : vector<512x1xf32>, vector<512x1xf32> -> vector<512x2xf32>
    %swap3A = arith.constant 0 : index
    %swap3A_28 = arith.constant 0 : index
    %swap3A_29 = vector.load %arg6[%swap3A, %swap3A_28] : memref<512x2xf32, #tpu.memory_space<vmem>>, vector<512x2xf32>
    tpu.vector_store %arg6[%swap3A, %swap3A_28], %concatenate3A {strides = array<i32>} : memref<512x2xf32, #tpu.memory_space<vmem>>, vector<512x2xf32>,
    return
  }
  func.func @transform_0(%arg0: i32) -> (i32, i32) {
    %c0_i32 = arith.constant 0 : i32
    %c0_i32_0 = arith.constant 0 : i32
    return %arg0, %c0_i32 : i32, i32
  }
  func.func @transform_1(%arg0: i32) -> (i32, i32) {
    %c0_i32 = arith.constant 0 : i32
    %c0_i32_0 = arith.constant 0 : i32
    %c0_i32_1 = arith.constant 0 : i32
    return %c0_i32, %c0_i32_0 : i32, i32
  }
  func.func @transform_2(%arg0: i32) -> (i32, i32) {
    %c0_i32 = arith.constant 0 : i32
    %c0_i32_0 = arith.constant 0 : i32
    %c0_i32_1 = arith.constant 0 : i32
    return %c0_i32, %c0_i32_0 : i32, i32
  }
  func.func @transform_3(%arg0: i32) -> (i32, i32) {
    %c0_i32 = arith.constant 0 : i32
    %c0_i32_0 = arith.constant 0 : i32
    %c0_i32_1 = arith.constant 0 : i32
    return %c0_i32, %c0_i32_0 : i32, i32
  }
  func.func @transform_4(%arg0: i32) -> (i32, i32) {
    %c0_i32 = arith.constant 0 : i32
    %c0_i32_0 = arith.constant 0 : i32
    %c0_i32_1 = arith.constant 0 : i32
    return %c0_i32, %c0_i32_0 : i32, i32
  }
  func.func @transform_5(%arg0: i32) -> (i32, i32) {
    %c0_i32 = arith.constant 0 : i32
    %c0_i32_0 = arith.constant 0 : i32
    return %arg0, %c0_i32 : i32, i32
  }
}

</mosaic_0001>

<sc_bundles>
// kernel: kernel.4.cloned.1.call-start
scs
__scs_entry_jumppad:
0x0: {  	(pc) =	sbr.rel $0x88, $3  }
0x1: {  	(tag) =	ssettag $0x0;
	lr =	simm.s32 $0x1  }
0x2: {  	[smem:$0x3F97] =	sst lr;
	_ =	strace $0xD0000000  }
0x3: {  	_ = 	snop  }
0x4: {  	_ = 	snop  }
0x5: {  	_ = 	snop  }
0x6: {  	_ = 	snop  }
0x7: {  	_ = 	snop  }
__scs_overlays_trampoline_lowered:
0x8: {  	[smem:$0x3FA6] =	sst s0  }
0x9: {  	[smem:$0x3FA7] =	sst s1  }
0xa: {  	[smem:$0x3FA8] =	sst s2  }
0xb: {  	[smem:$0x3FA9] =	sst s3  }
0xc: {  	[smem:$0x3FAA] =	sst s4  }
0xd: {  	[smem:$0x3FAB] =	sst s5  }
0xe: {  	[smem:$0x3FAC] =	sst s6  }
0xf: {  	[smem:$0x3FAD] =	sst s7  }
0x10: {  	[smem:$0x3FAE] =	sst s8  }
0x11: {  	[smem:$0x3FAF] =	sst s9;
	s0 =	simm.s32 @!p0 $0x0  }
0x12: {  	s1 =	sld [smem:$0x3F95];
	s0 =	simm.s32 @p0 $0x1  }
0x13: {  	[smem:$0x3FB0] =	sst s0;
	s0 =	simm.s32 @!p1 $0x0  }
0x14: {  	s2 =	sld [smem:$0x3F94];
	s0 =	simm.s32 @p1 $0x1  }
0x15: {  	[smem:$0x3FB1] =	sst s0;
	s0 =	simm.s32 @!p2 $0x0  }
0x16: {  	s3 =	sld [smem:$0x3FDB];
	s0 =	simm.s32 @p2 $0x1  }
0x17: {  	s4 =	simm.s32 $0x1BF5;
	[smem:$0x3FB3] =	sst s0  }
0x18: {  	s0 =	sld [smem:$0x3F96];
	_ =	swait.ge [sflag:s4], $0x0  }
0x19: {  	s7 =	sld [smem:$0x3F97]  }
0x1a: {  	s8 =	sadd.s32 $0xFFFFE003, lr  }
0x1b: {  	s9 =	sadd.s32 $0xFFFFFEF7, lr;
	s5 =	simm.s32 $0xFFFFFFFF;
	p2 =	slt.u32 s8, $0xFFFFF086  }
0x1c: {  	p1 =	slt.u32 s9, $0xF7A;
	s5 =	simm.s32 @!p2 $0x0  }
0x1d: {  	s5 =	simm.s32 @p1 $0x1;
	p0 =	seq.s32 s7, s2  }
0x1e: {  	s7 =	smul.u32 @!p0 $0xF7A, s2;
	p2 =	seq.s32 @!p0 s5, $0x0  }
0x1f: {  	s9 =	smul.u32 $0xF7A, s1;
	s8 =	simm.s32 @!p0 $0x1BF5;
	p2 =	por !p2, p0  }
0x20: {  	[sflag:s8] =	ssyncset.s32 @!p0 $0xFFFFF086;
	s6 =	sadd.s32 @!p0 s3, s7;
	s7 =	simm.s32 @!p0 $0x108  }
0x21: {  	s3 =	sadd.s32 s3, s9;
	s6 =	sadd.s32 @!p0 $0x88, s6;
	s7 =	simm.s32 @p2 $0x1082  }
0x22: {  	[simem:s7], [sflag:s8] =	dma.local @!p0 [hbm:s6], $0xF7A  }
0x23: {  	s9 =	sor.u32 $0xD0000000, s2;
	s6 =	simm.s32 $0x108;
	_ =	swait.ge @!p0 [sflag:s8], $0x0  }
0x24: {  	s3 =	sadd.s32 $0x88, s3;
	s6 =	simm.s32 @!p1 $0x1082;
	[sflag:s4] =	ssyncset.s32 $0xFFFFF086  }
0x25: {  	[simem:s6], [sflag:s4] =	dma.local [hbm:s3], $0xF7A  }
0x26: {  	[smem:$0x3F97] =	sst s1;
	(tag) =	ssettag s2;
	_ =	strace s9  }
0x27: {  	s1 =	sld [smem:$0x3FA7]  }
0x28: {  	s2 =	sld [smem:$0x3FA8]  }
0x29: {  	s4 =	sld [smem:$0x3FAA]  }
0x2a: {  	p0 =	seq.s32 s5, $0x0;
	s5 =	sld [smem:$0x3FAB]  }
0x2b: {  	s6 =	sld [smem:$0x3FAC]  }
0x2c: {  	s7 =	sld [smem:$0x3FAD]  }
0x2d: {  	s3 =	simm.s32 $0x108;
	s8 =	sld [smem:$0x3FAE]  }
0x2e: {  	s3 =	simm.s32 @!p0 $0x1082;
	s9 =	sld [smem:$0x3FAF]  }
0x2f: {  	lr =	sadd.s32 s0, s3;
	s0 =	sld [smem:$0x3FA6]  }
0x30: {  	s3 =	sld [smem:$0x3FA9]  }
0x31: {  	[smem:$0x3FB2] =	sst s10  }
0x32: {  	s10 =	sld [smem:$0x3FB0];
	_ =	sdelay $0x3  }
0x33: {  	p0 =	seq.s32 s10, $0x1;
	s10 =	sld [smem:$0x3FB2];
	_ =	sdelay $0x3  }
0x34: {  	[smem:$0x3FB2] =	sst s10  }
0x35: {  	s10 =	sld [smem:$0x3FB1];
	_ =	sdelay $0x3  }
0x36: {  	p1 =	seq.s32 s10, $0x1;
	s10 =	sld [smem:$0x3FB2];
	_ =	sdelay $0x3  }
0x37: {  	[smem:$0x3FB2] =	sst s10  }
0x38: {  	s10 =	sld [smem:$0x3FB3]  }
0x39: {  	_ = 	snop;
	(pc) =	sbr.ind lr, $3  }
0x3a: {  	_ = 	snop  }
0x3b: {  	_ = 	snop  }
0x3c: {  	p2 =	seq.s32 s10, $0x1;
	s10 =	sld [smem:$0x3FB2]  }
0x3d: {  	_ =	shalt  }
0x3e: {  	_ =	shalt  }
0x3f: {  	_ =	shalt  }
0x40: {  	_ =	shalt  }
0x41: {  	_ =	shalt  }
0x42: {  	_ =	shalt  }
0x43: {  	_ =	shalt  }
0x44: {  	_ =	shalt  }
0x45: {  	_ =	shalt  }
0x46: {  	_ =	shalt  }
0x47: {  	_ =	shalt  }
0x48: {  	_ =	shalt  }
0x49: {  	_ =	shalt  }
0x4a: {  	_ =	shalt  }
0x4b: {  	_ =	shalt  }
0x4c: {  	_ =	shalt  }
0x4d: {  	_ =	shalt  }
0x4e: {  	_ =	shalt  }
0x4f: {  	_ =	shalt  }
0x50: {  	_ =	shalt  }
0x51: {  	_ =	shalt  }
0x52: {  	_ =	shalt  }
0x53: {  	_ =	shalt  }
0x54: {  	_ =	shalt  }
0x55: {  	_ =	shalt  }
0x56: {  	_ =	shalt  }
0x57: {  	_ =	shalt  }
0x58: {  	_ =	shalt  }
0x59: {  	_ =	shalt  }
0x5a: {  	_ =	shalt  }
0x5b: {  	_ =	shalt  }
0x5c: {  	_ =	shalt  }
0x5d: {  	_ =	shalt  }
0x5e: {  	_ =	shalt  }
0x5f: {  	_ =	shalt  }
0x60: {  	_ =	shalt  }
0x61: {  	_ =	shalt  }
0x62: {  	_ =	shalt  }
0x63: {  	_ =	shalt  }
0x64: {  	_ =	shalt  }
0x65: {  	_ =	shalt  }
0x66: {  	_ =	shalt  }
0x67: {  	_ =	shalt  }
0x68: {  	_ =	shalt  }
0x69: {  	_ =	shalt  }
0x6a: {  	_ =	shalt  }
0x6b: {  	_ =	shalt  }
0x6c: {  	_ =	shalt  }
0x6d: {  	_ =	shalt  }
0x6e: {  	_ =	shalt  }
0x6f: {  	_ =	shalt  }
0x70: {  	_ =	shalt  }
0x71: {  	_ =	shalt  }
0x72: {  	_ =	shalt  }
0x73: {  	_ =	shalt  }
0x74: {  	_ =	shalt  }
0x75: {  	_ =	shalt  }
0x76: {  	_ =	shalt  }
0x77: {  	_ =	shalt  }
0x78: {  	_ =	shalt  }
0x79: {  	_ =	shalt  }
0x7a: {  	_ =	shalt  }
0x7b: {  	_ =	shalt  }
0x7c: {  	_ =	shalt  }
0x7d: {  	_ =	shalt  }
0x7e: {  	_ =	shalt  }
0x7f: {  	_ =	shalt  }
0x80: {  	_ =	shalt  }
0x81: {  	_ =	shalt  }
0x82: {  	_ =	shalt  }
0x83: {  	_ =	shalt  }
0x84: {  	_ =	shalt  }
0x85: {  	_ =	shalt  }
0x86: {  	_ =	shalt  }
0x87: {  	_ =	shalt  }
.Lfunc_end0:
.L_simem_size_0:
called_computation_lowered:
.L_overlay_start_0:
0x88: {  	s2 =	sld [smem:$0x3FD9]  }
0x89: {  	s3 =	sld [smem:$0x3FFE];
	_ =	sdelay $0x1  }
0x8a: {  	s1 =	srdreg.scid  }
0x8b: {  	s0 =	sand.u32 $0x1, s1  }
0x8c: {  	s16 =	sshll.u32 s0, $0xA;
	s2 =	sadd.s32 s3, s2  }
0x8d: {  	s2 =	sadd.s32 s2, s16  }
0x8e: {  	[smem:$0x3FBE] =	sst s2  }
0x8f: {  	_ = 	snop  }
0x90: {  	(tm) =	ssettm $0x1  }
0x91: {  	s17 =	sld [smem:$0x3FFB];
	_ =	sdelay $0x3  }
0x92: {  	_ =	strace s17  }
0x93: {  	s2 =	sld [smem:$0x3FFC];
	_ =	sdelay $0x3  }
0x94: {  	_ =	strace s2  }
0x95: {  	s2 =	sld [smem:$0x3FFD];
	_ =	sdelay $0x3  }
0x96: {  	_ =	strace s2  }
0x97: {  	_ =	strace $0x8FFFFFFF  }
0x98: {  	s18 =	sld [smem:$0x3FDB];
	_ =	sdelay $0x1  }
0x99: {  	s19 =	simm.s32 $_scs_section_size  }
0x9a: {  	s4 =	simm.s32 $_size__tile_overlayer_lowered;
	s5 =	simm.s32 $_tile_overlayer_lowered  }
0x9b: {  	s22 =	simm.s32 $0x1BFF;
	s21 =	sshll.u32 s5, $0x1;
	s2 =	sadd.s32 s19, s18  }
0x9c: {  	s6 =	simm.s32 $0x0;
	s20 =	sshll.u32 s4, $0x1;
	s4 =	sadd.s32 s21, s2  }
0x9d: {  	[timem:s6], [sflag:s22] =	dma.local [hbm:s4], s20  }
0x9e: {  	_ =	swait.ge [sflag:s22], s20  }
0x9f: {  	s3 =	ssub.s32 $0x0, s20;
	[sflag:s22] =	ssyncset.done $0x0  }
0xa0: {  	[sflag:s22] =	ssyncadd.s32 s3;
	_ =	sdelay $0x1  }
0xa1: {  	s23 =	simm.s32 $0x1B8B  }
0xa2: {  	_ =	swait.ge [sflag:s23], $0x1  }
0xa3: {  	[sflag:s23] =	ssyncset.done $0x0  }
0xa4: {  	s25 =	simm.s32 $0x1B8E;
	s24 =	sld [smem:$0x3FFE];
	[sflag:s23] =	ssyncadd.s32 $0xFFFFFFFF  }
0xa5: {  	s26 =	simm.s32 $execute0_lowered;
	[smem:$0x3FD2] =	sst s25  }
0xa6: {  	s4 =	sshll.u32 s26, $0x1;
	_ =	strace $0x80000046;
	[dreg:$0x1] =	wrdreg $0xFFFFFFFF  }
0xa7: {  	s28 =	simm.s32 $_size_execute0_lowered;
	s2 =	sadd.s32 s2, s4;
	[dreg:$0x0] =	wrdreg $0x0  }
0xa8: {  	s4 =	sshll.u32 s28, $0x1;
	[dreg:$0x2] =	wrdreg s2  }
0xa9: {  	[dreg:$0x3] =	wrdreg s4  }
0xaa: {  	[dreg:$0x4] =	wrdreg $0xC0  }
0xab: {  	_ =	task [dreg:s6], $0x5FFFF  }
0xac: {  	[dreg:$0x1] =	wrdreg $0xFFFFFFFF  }
0xad: {  	[dreg:$0x0] =	wrdreg $0x60  }
0xae: {  	[dreg:$0x2] =	wrdreg s24  }
0xaf: {  	[dreg:$0x3] =	wrdreg $0x9  }
0xb0: {  	_ =	task.clear_ibuf [dreg:s6], $0x4FFFF;
	_ =	strace $0x90000046  }
0xb1: {  	s29 =	simm.s32 $0x9;
	_ =	strace $0x80000048  }
0xb2: {  	_ =	swait.ge [sflag:s29], $0x1  }
0xb3: {  	[sflag:s29] =	ssyncadd.s32 $0xFFFFFFFF  }
0xb4: {  	_ =	strace $0x90000048  }
0xb5: {  	_ =	sfence  }
0xb6: {  	s30 =	sld [smem:$0x0];
	_ =	sdelay $0x2  }
0xb7: {  	s31 =	sshll.u32 s1, $0xD;
	s1 =	sshrl.u32 s1, $0x2  }
0xb8: {  	s3 =	sand.u32 $0x4000, s31;
	s1 =	sadd.s32 s1, s30  }
0xb9: {  	s0 =	sor.u32 s3, s0;
	s1 =	sshll.u32 s1, $0x11  }
0xba: {  	s0 =	sor.u32 s1, s0  }
0xbb: {  	s0 =	sadd.s32 $0x8F2B, s0  }
0xbc: {  	[sflag:s0] =	ssyncadd.remote.s32 $0x1  }
0xbd: {  	_ =	sfence.sel $0xFFFF  }
0xbe: {  	[dreg:$0x0] =	wrdreg $0xFFFFFFFF;
	(pc) =	sbr.abs _section_cstart, $3  }
0xbf: {  	[dreg:$0x1] =	wrdreg $0xFFFFFFFF  }
0xc0: {  	_ =	task.clear_ibuf [dreg:s6], $0x2FFFF;
	_ =	strace $0x9FFFFFFF  }
0xc1: {  	(tm) =	ssettm $0x7FFFFFFF  }
tec
execute0_lowered:
.L_overlay_start_1:
0x0: {  	(tag) =	ssettag $0x1  }
0x1: {  	s1 =	srdreg.scid  }
0x2: {  	s0 =	stileid.u32;
	s4 =	rddreg [dreg:$0x0];
	s2 =	simm.s32 $0x0  }
0x3: {  	s9 =	simm.s32 $0x1;
	s3 =	sand.u32 $0x1, s1;
	s5 =	sshll.u32 s0, $0x1  }
0x4: {  	s10 =	simm.s32 $0x0;
	s1 =	rddreg [dreg:$0x1];
	s5 =	sor.u32 s3, s5  }
0x5: {  	[smem:$0x7FF] =	sst s2;
	s7 =	ssub.s32 $0x2, s3;
	s6 =	smul.u32 $0x1A0, s5  }
0x6: {  	_ =	strace $0x80000047;
	s5 =	smul.u32 $0x3400, s5;
	s8 =	sshrl.u32 s7, $0x1  }
0x7: {  	s3 =	sadd.s32 $0x27AD800, s4;
	s7 =	ssub.s32 s7, s8;
	s6 =	sadd.s32 s6, s4  }
0x8: {  	v0 =	vlaneseq.u32;
	s8 =	simm.s32 $0xD00;
	s5 =	sadd.s32 s5, s4;
	s4 =	sadd.s32 $0x1400, s6  }
0x9: {  	v0 =	vmul.u32 $0x186A0, v0;
	s5 =	sadd.s32 $0x4800, s5;
	s6 =	smax.u32 s7, $0x1;
	s7 =	simm.s32 $0x2  }
.LBB2_1:
0xa: {  	[tilespmem:s2], [sflag:$0x2] =	stream.linear.gather [hbm4b:s4+s2], $0xD00, $0x38;
	[tilespmem:$0x1AD00] =	vst v63  }
0xb: {  	_ =	swait.ge [sflag:s7], $0xD00  }
0xc: {  	[sflag:s7] =	ssyncset.done $0x0  }
0xd: {  	s11 =	simm.s32 $0x20;
	[sflag:s7] =	ssyncadd.s32 $0xFFFFF300  }
0xe: {  	v1 =	vld [tilespmem:s11+$0xFFFFFFE0];
	_ =	sdelay $0x3  }
0xf: {  	v2 =	vld [tilespmem:s11+$0xFFFFFFF0]  }
0x10: {  	v3 =	vadd.s32 $0x186A00, v0;
	v1 =	vadd.s32 v0, v1  }
0x11: {  	vm0 =	vgt.s32 v3, $0x27AC3F;
	[tilespmem:s11+$0xFFFFFFE0] =	vst v1;
	v1 =	vadd.s32 $0xFFF0BDC0, v0  }
0x12: {  	v4 =	vld [tilespmem:s11+$0x0];
	v1 =	vsel vm0, v1, v3  }
0x13: {  	v3 =	vadd.s32 $0x186A00, v1  }
0x14: {  	v2 =	vadd.s32 v1, v2;
	v1 =	vadd.s32 $0xFFF0BDC0, v1;
	vm15 =	vgt.s32 v3, $0x27AC3F  }
0x15: {  	[tilespmem:s11+$0xFFFFFFF0] =	vst v2;
	v2 =	vsel vm15, v1, v3;
	v1 =	vld [tilespmem:s11+$0x10];
	_ =	sdelay $0x1  }
0x16: {  	s12 =	simm.s32 $0x0;
	s13 =	simm.s32 $0x60;
	v4 =	vadd.s32 v2, v4;
	v3 =	vadd.s32 $0x186A00, v2  }
.LBB2_2:
0x17: {  	v5 =	vld [tilespmem:s13+$0xFFFFFFE0];
	[tilespmem:s11+$0x0] =	vst v4;
	vm0 =	vgt.s32 v3, $0x27AC3F;
	v2 =	vadd.s32 $0xFFF0BDC0, v2  }
0x18: {  	v4 =	vld [tilespmem:s13+$0xFFFFFFF0];
	v2 =	vsel vm0, v2, v3  }
0x19: {  	v1 =	vadd.s32 v2, v1;
	v3 =	vadd.s32 $0x186A00, v2  }
0x1a: {  	[tilespmem:s11+$0x10] =	vst v1;
	vm0 =	vgt.s32 v3, $0x27AC3F;
	v1 =	vadd.s32 $0xFFF0BDC0, v2;
	s11 =	smov.u32 s13  }
0x1b: {  	v1 =	vsel vm0, v1, v3  }
0x1c: {  	s12 =	sadd.s32 $0x4, s12;
	v2 =	vadd.s32 v1, v5;
	v3 =	vadd.s32 $0x186A00, v1  }
0x1d: {  	p0 =	slt.u32 s12, $0xCC;
	v1 =	vadd.s32 $0xFFF0BDC0, v1;
	[tilespmem:s13+$0xFFFFFFE0] =	vst v2;
	vm0 =	vgt.s32 v3, $0x27AC3F;
	v5 =	vld [tilespmem:s13+$0x0]  }
.Ltmp0:
0x1e: {  	v1 =	vsel vm0, v1, v3;
	(pc) =	sbr.rel @p0 .LBB2_2-.Ltmp0, $4  }
0x1f: {  	v2 =	vadd.s32 v1, v4;
	v3 =	vadd.s32 $0x186A00, v1  }
0x20: {  	[tilespmem:s13+$0xFFFFFFF0] =	vst v2;
	vm0 =	vgt.s32 v3, $0x27AC3F;
	v2 =	vadd.s32 $0xFFF0BDC0, v1;
	v1 =	vld [tilespmem:s13+$0x10]  }
0x21: {  	v2 =	vsel vm0, v2, v3  }
0x22: {  	s13 =	sadd.s32 $0x40, s13;
	v4 =	vadd.s32 v2, v5;
	v3 =	vadd.s32 $0x186A00, v2  }
0x23: {  	vm0 =	vgt.s32 v3, $0x27AC3F;
	v2 =	vadd.s32 $0xFFF0BDC0, v2  }
0x24: {  	v2 =	vsel vm0, v2, v3  }
0x25: {  	[tilespmem:s11+$0x0] =	vst v4;
	v1 =	vadd.s32 v2, v1  }
0x26: {  	[tilespmem:s11+$0x10] =	vst v1  }
0x27: {  	[tilespmem:s8], [sflag:$0x1] =	stream.indirect.gather [hbm4b:s3+s8], $0x20, s2, s8, $0xb8;
	[tilespmem:$0x1AD00] =	vst v63  }
0x28: {  	s10 =	sadd.s32 $0x1, s10;
	_ =	swait.ge [sflag:s9], $0x1A000  }
0x29: {  	p0 =	sne.s32 s10, s6;
	[sflag:s9] =	ssyncset.done $0x0  }
.Ltmp1:
0x2a: {  	[sflag:s9] =	ssyncadd.s32 $0xFFFE6000;
	(pc) =	sbr.rel @p0 .LBB2_1-.Ltmp1, $4  }
0x2b: {  	[hbm4b:s5+s2] =	stream.linear.scatter [tilespmem:s8], [sflag:$0x2], $0x1A000, $0x38;
	[tilespmem:$0x1AD00] =	vst v63  }
0x2c: {  	_ =	swait.ge [sflag:s7], $0x1A000  }
0x2d: {  	[sflag:s7] =	ssyncset.done $0x0  }
0x2e: {  	[sflag:s7] =	ssyncadd.s32 $0xFFFE6000  }
0x2f: {  	_ =	sfence.sel $0x180000  }
0x30: {  	[bflag:$0x0] =	sbarrier.arrive $0xFFFF  }
0x31: {  	p0 =	sne.s32 s0, $0x0;
	_ =	strace $0x90000047  }
0x32: {  	s0 =	sadd.s32 @!p0 $0x100000, s1;
	[bflag:$0x2] =	sbarrier.arrive $0xFFFF  }
0x33: {  	[sflag:s0] =	ssyncadd.tile.s32 @!p0 $0x1;
	_ =	shalt  }
.Lfunc_end2:
_tile_overlayer_lowered:
.L_overlay_start_2:
0x34: {  	(tag) =	ssettag $0x2  }
0x35: {  	s0 =	rddreg [dreg:$0x0];
	s2 =	stileid.u32  }
0x36: {  	s1 =	rddreg [dreg:$0x1];
	p0 =	sne.s32 s2, $0x0  }
0x37: {  	s3 =	rddreg [dreg:$0x2];
	[bflag:$0x3] =	sbarrier.arrive $0xFFFF;
	s2 =	simm.s32 @!p0 $0x1C02  }
0x38: {  	[timem:s3], [sflag:s2] =	dma.local @!p0 [hbm:s0], s1  }
0x39: {  	s0 =	simm.s32 @!p0 $0x2  }
0x3a: {  	_ =	swait.ge @!p0 [sflag:s0], s1  }
0x3b: {  	s1 =	ssub.s32 @!p0 $0x0, s1;
	[sflag:s0] =	ssyncset.done @!p0 $0x0  }
0x3c: {  	[sflag:s0] =	ssyncadd.s32 @!p0 s1  }
0x3d: {  	[bflag:$0x3] =	sbarrier.arrive $0xFFFF  }
0x3e: {  	_ =	shalt  }

</sc_bundles>
